<compile_context>
chip_gen: v7x
topology: tpu7x:2x2x1
jax: 0.10.2.dev20260603
libtpu: 0.0.44.dev20260713+nightly
codegen_flags: <defaults>
</compile_context>

<pallas_src>
import functools

import jax
import jax.numpy as jnp
from jax import lax
from jax.experimental import pallas as pl
from jax.experimental.pallas import tpu as pltpu
from jax.experimental.pallas import tpu_sc as plsc

N_NODES = 1000000
N_DIMS = 64
N_CLASS = 20
BATCH = 16384

_info = plsc.get_sparse_core_info()
_NC, _NS, _L = _info.num_cores, _info.num_subcores, _info.num_lanes
_NW = _NC * _NS
_BPW = BATCH // _NW
_NBLK = _BPW // _L


@functools.partial(
    pl.kernel,
    mesh=plsc.VectorSubcoreMesh(core_axis_name="c", subcore_axis_name="s"),
    out_type=jax.ShapeDtypeStruct((BATCH, N_CLASS), jnp.float32),
    scratch_types=[
        pltpu.VMEM((_BPW,), jnp.int32),
        pltpu.VMEM((_BPW, N_DIMS), jnp.float32),
        pltpu.VMEM((N_DIMS * N_CLASS, _L), jnp.float32),
        pltpu.VMEM((N_CLASS, _L), jnp.float32),
        pltpu.VMEM((_BPW, N_CLASS), jnp.float32),
        pltpu.SemaphoreType.DMA,
    ],
    compiler_params=pltpu.CompilerParams(
        needs_layout_passes=False, use_tc_tiling_on_sc=False),
)
def _sc_kernel(idx_hbm, table_hbm, wrep_hbm, brep_hbm, out_hbm,
               idx_v, rows_v, wrep_v, brep_v, out_v, sem):
    wid = lax.axis_index("s") * _NC + lax.axis_index("c")
    base = wid * _BPW

    pltpu.sync_copy(idx_hbm.at[pl.ds(base, _BPW)], idx_v)
    pltpu.sync_copy(wrep_hbm, wrep_v)
    pltpu.sync_copy(brep_hbm, brep_v)
    pltpu.async_copy(table_hbm.at[idx_v], rows_v, sem).wait()

    lane = lax.iota(jnp.int32, _L)

    def block_body(blk, _):
        row_ids = blk * _L + lane

        def d_body(d, accs):
            col = plsc.load_gather(
                rows_v, [row_ids, jnp.broadcast_to(d, (_L,))])
            dbase = d * N_CLASS
            return tuple(
                accs[c] + col * wrep_v[dbase + c]
                for c in range(N_CLASS))

        accs = tuple(brep_v[c] for c in range(N_CLASS))
        accs = lax.fori_loop(0, N_DIMS, d_body, accs)
        for c in range(N_CLASS):
            plsc.store_scatter(
                out_v, [row_ids, jnp.full((_L,), c, jnp.int32)], accs[c])
        return 0

    lax.fori_loop(0, _NBLK, block_body, 0)
    pltpu.sync_copy(out_v, out_hbm.at[pl.ds(base, _BPW)])


def kernel(inputs, table, W, b):
    wrep = jnp.broadcast_to(
        W.astype(jnp.float32).reshape(N_DIMS * N_CLASS, 1),
        (N_DIMS * N_CLASS, _L))
    brep = jnp.broadcast_to(
        b.astype(jnp.float32).reshape(N_CLASS, 1), (N_CLASS, _L))
    return _sc_kernel(inputs.astype(jnp.int32), table, wrep, brep)

# --- scband reference (transcript-rebuilt; emitter-appended) ---
"""Pipeline reference for scband-skip-gram-57071525430146 (READ-ONLY COPY).

The authoritative reference and input builder live on the scoring server;
editing this copy changes nothing except your own understanding.
"""

import jax, jax.numpy as jnp
import numpy as np
from math import ceil, log2

N_NODES = 1000000
N_DIMS = 64
N_CLASS = ceil(log2(N_NODES))  # 20
BATCH = 16384


def setup_inputs(seed: int = 0) -> dict:
    key = jax.random.key(seed)
    k1, k2, k3, k4 = jax.random.split(key, 4)
    inputs = jax.random.randint(k1, (BATCH,), 0, N_NODES)
    # Embedding table (keras 'uniform' initializer ~ U(-0.05, 0.05))
    table = jax.random.uniform(k2, (N_NODES, N_DIMS), dtype=jnp.float32, minval=-0.05, maxval=0.05)
    # Dense layer params (glorot uniform-ish)
    limit = np.sqrt(6.0 / (N_DIMS + N_CLASS))
    W = jax.random.uniform(k3, (N_DIMS, N_CLASS), dtype=jnp.float32, minval=-limit, maxval=limit)
    b = jnp.zeros((N_CLASS,), dtype=jnp.float32)
    return {"inputs": inputs, "table": table, "W": W, "b": b}


def reference(inputs, table, W, b):
    # Embedding lookup (SparseCore gather)
    w = jnp.take(table, inputs, axis=0)  # [B, n_dims]
    # Hierarchical embedding: Dense with no activation
    tree = jnp.dot(w, W) + b  # [B, n_class]
    return tree

if __name__ == "__main__":
    import jax
    _d = setup_inputs()
    print(jax.jit(kernel)(*tuple(_d.values())))

</pallas_src>

<mosaic_0001>
#map = affine_map<(d0, d1) -> (0)>
#map1 = affine_map<(d0, d1) -> (0, 0)>
module attributes {stable_mosaic.version = 14 : i64} {
  func.func @_sc_kernel(%arg0: i32, %arg1: i32, %arg2: memref<16384xi32, #tpu.memory_space<hbm>>, %arg3: memref<1000000x64xf32, #tpu.memory_space<hbm>>, %arg4: memref<1280x16xf32, #tpu.memory_space<hbm>>, %arg5: memref<20x16xf32, #tpu.memory_space<hbm>>, %arg6: memref<16384x20xf32, #tpu.memory_space<hbm>>, %arg7: memref<512xi32, #tpu.memory_space<vmem>>, %arg8: memref<512x64xf32, #tpu.memory_space<vmem>>, %arg9: memref<1280x16xf32, #tpu.memory_space<vmem>>, %arg10: memref<20x16xf32, #tpu.memory_space<vmem>>, %arg11: memref<512x20xf32, #tpu.memory_space<vmem>>, %arg12: memref<!tpu.dma_semaphore, #tpu.memory_space<semaphore_mem>>) attributes {dimension_semantics = [#tpu.dimension_semantics<core_parallel>, #tpu.dimension_semantics<subcore_parallel>], iteration_bounds = array<i64: 2, 16>, scalar_prefetch = 0 : i64, scratch_operands = 6 : i64, tpu.core_type = #tpu.core_type<sc_vector_subcore>, window_params = [{transform_indices = #map}, {transform_indices = #map1}, {transform_indices = #map1}, {transform_indices = #map1}, {transform_indices = #map1}]} {
    %mul3A = arith.constant 2 : i32
    %mul3A_0 = arith.muli %arg1, %mul3A : i32
    %add3A = arith.addi %mul3A_0, %arg0 : i32
    %mul3A_1 = arith.constant 512 : i32
    %mul3A_2 = arith.muli %add3A, %mul3A_1 : i32
    "tpu.region"() ({
      %run_scoped3A = tpu.sem_alloc : memref<!tpu.dma_semaphore, #tpu.memory_space<semaphore_mem>>
      %dma_start3A_13 = tpu.memref_slice %arg2[%mul3A_2] : memref<16384xi32, #tpu.memory_space<hbm>> -> memref<512xi32, #tpu.memory_space<hbm>>
      %dma_start3A_14 = tpu.memref_slice %arg2[%mul3A_2] : memref<16384xi32, #tpu.memory_space<hbm>> -> memref<512xi32, #tpu.memory_space<hbm>>
      tpu.enqueue_dma source(%dma_start3A_14 : memref<512xi32, #tpu.memory_space<hbm>>) target(%arg7 : memref<512xi32, #tpu.memory_space<vmem>>) target_semaphore(%run_scoped3A : memref<!tpu.dma_semaphore, #tpu.memory_space<semaphore_mem>>)
      %dma_wait3A_15 = tpu.memref_slice %arg2[%mul3A_2] : memref<16384xi32, #tpu.memory_space<hbm>> -> memref<512xi32, #tpu.memory_space<hbm>>
      %dma_wait3A_16 = tpu.memref_slice %arg2[%mul3A_2] : memref<16384xi32, #tpu.memory_space<hbm>> -> memref<512xi32, #tpu.memory_space<hbm>>
      tpu.wait_dma2 semaphore(%run_scoped3A : memref<!tpu.dma_semaphore, #tpu.memory_space<semaphore_mem>>) src(%dma_wait3A_16 : memref<512xi32, #tpu.memory_space<hbm>>) dst(%arg7 : memref<512xi32, #tpu.memory_space<vmem>>)
      tpu.yield
    }) : () -> ()
    "tpu.region"() ({
      %run_scoped3A = tpu.sem_alloc : memref<!tpu.dma_semaphore, #tpu.memory_space<semaphore_mem>>
      tpu.enqueue_dma source(%arg4 : memref<1280x16xf32, #tpu.memory_space<hbm>>) target(%arg9 : memref<1280x16xf32, #tpu.memory_space<vmem>>) target_semaphore(%run_scoped3A : memref<!tpu.dma_semaphore, #tpu.memory_space<semaphore_mem>>)
      tpu.wait_dma2 semaphore(%run_scoped3A : memref<!tpu.dma_semaphore, #tpu.memory_space<semaphore_mem>>) src(%arg4 : memref<1280x16xf32, #tpu.memory_space<hbm>>) dst(%arg9 : memref<1280x16xf32, #tpu.memory_space<vmem>>)
      tpu.yield
    }) : () -> ()
    "tpu.region"() ({
      %run_scoped3A = tpu.sem_alloc : memref<!tpu.dma_semaphore, #tpu.memory_space<semaphore_mem>>
      tpu.enqueue_dma source(%arg5 : memref<20x16xf32, #tpu.memory_space<hbm>>) target(%arg10 : memref<20x16xf32, #tpu.memory_space<vmem>>) target_semaphore(%run_scoped3A : memref<!tpu.dma_semaphore, #tpu.memory_space<semaphore_mem>>)
      tpu.wait_dma2 semaphore(%run_scoped3A : memref<!tpu.dma_semaphore, #tpu.memory_space<semaphore_mem>>) src(%arg5 : memref<20x16xf32, #tpu.memory_space<hbm>>) dst(%arg10 : memref<20x16xf32, #tpu.memory_space<vmem>>)
      tpu.yield
    }) : () -> ()
    %dma_start3A = arith.constant 0 : i32
    %dma_start3A_3 = arith.constant 0 : i32
    %dma_start3A_4 = tpu.memref_slice %arg3[%dma_start3A, %dma_start3A_3] : memref<1000000x64xf32, #tpu.memory_space<hbm>> -> memref<1000000x64xf32, #tpu.memory_space<hbm>>
    tpu.enqueue_indirect_dma source(%dma_start3A_4 : memref<1000000x64xf32, #tpu.memory_space<hbm>>) target(%arg8 : memref<512x64xf32, #tpu.memory_space<vmem>>) offsets(%arg7 : memref<512xi32, #tpu.memory_space<vmem>>) semaphore(%arg12 : memref<!tpu.dma_semaphore, #tpu.memory_space<semaphore_mem>>)
    %dma_wait3A = arith.constant 0 : i32
    %dma_wait3A_5 = arith.constant 0 : i32
    %dma_wait3A_6 = tpu.memref_slice %arg3[%dma_wait3A, %dma_wait3A_5] : memref<1000000x64xf32, #tpu.memory_space<hbm>> -> memref<1000000x64xf32, #tpu.memory_space<hbm>>
    tpu.wait_indirect_dma semaphore(%arg12 : memref<!tpu.dma_semaphore, #tpu.memory_space<semaphore_mem>>) src(%dma_wait3A_6 : memref<1000000x64xf32, #tpu.memory_space<hbm>>) dst(%arg8 : memref<512x64xf32, #tpu.memory_space<vmem>>)
    %iota3A = tpu.iota {dimensions = array<i32: 0>} : vector<16xi32>
    %scan3A = arith.constant 0 : i32
    %scan3A_7 = arith.constant 0 : i32
    %scan3A_8 = arith.constant 32 : i32
    %scan3A_9 = arith.addi %scan3A_7, %scan3A_8 : i32
    %scan3A_10 = arith.constant 1 : i32
    %scan3A_11 = scf.for %scan3A_13 = %scan3A_7 to %scan3A_9 step %scan3A_10 iter_args(%scan3A_14 = %scan3A) -> (i32)  : i32 {
      %mul3A_15 = arith.constant 16 : i32
      %mul3A_16 = arith.muli %scan3A_13, %mul3A_15 : i32
      %add3A_17 = vector.broadcast %mul3A_16 : i32 to vector<16xi32>
      %add3A_18 = arith.addi %add3A_17, %iota3A : vector<16xi32>
      %get3A = arith.constant 0 : i32
      %get3A_19 = arith.index_cast %get3A : i32 to index
      %get3A_20 = arith.constant 0 : index
      %get3A_21 = tpu.vector_load %arg10[%get3A_19, %get3A_20] {strides = array<i32>} : memref<20x16xf32, #tpu.memory_space<vmem>>, vector<16xf32>,
      %get3A_22 = arith.constant 1 : i32
      %get3A_23 = arith.index_cast %get3A_22 : i32 to index
      %get3A_24 = arith.constant 0 : index
      %get3A_25 = tpu.vector_load %arg10[%get3A_23, %get3A_24] {strides = array<i32>} : memref<20x16xf32, #tpu.memory_space<vmem>>, vector<16xf32>,
      %get3A_26 = arith.constant 2 : i32
      %get3A_27 = arith.index_cast %get3A_26 : i32 to index
      %get3A_28 = arith.constant 0 : index
      %get3A_29 = tpu.vector_load %arg10[%get3A_27, %get3A_28] {strides = array<i32>} : memref<20x16xf32, #tpu.memory_space<vmem>>, vector<16xf32>,
      %get3A_30 = arith.constant 3 : i32
      %get3A_31 = arith.index_cast %get3A_30 : i32 to index
      %get3A_32 = arith.constant 0 : index
      %get3A_33 = tpu.vector_load %arg10[%get3A_31, %get3A_32] {strides = array<i32>} : memref<20x16xf32, #tpu.memory_space<vmem>>, vector<16xf32>,
      %get3A_34 = arith.constant 4 : i32
      %get3A_35 = arith.index_cast %get3A_34 : i32 to index
      %get3A_36 = arith.constant 0 : index
      %get3A_37 = tpu.vector_load %arg10[%get3A_35, %get3A_36] {strides = array<i32>} : memref<20x16xf32, #tpu.memory_space<vmem>>, vector<16xf32>,
      %get3A_38 = arith.constant 5 : i32
      %get3A_39 = arith.index_cast %get3A_38 : i32 to index
      %get3A_40 = arith.constant 0 : index
      %get3A_41 = tpu.vector_load %arg10[%get3A_39, %get3A_40] {strides = array<i32>} : memref<20x16xf32, #tpu.memory_space<vmem>>, vector<16xf32>,
      %get3A_42 = arith.constant 6 : i32
      %get3A_43 = arith.index_cast %get3A_42 : i32 to index
      %get3A_44 = arith.constant 0 : index
      %get3A_45 = tpu.vector_load %arg10[%get3A_43, %get3A_44] {strides = array<i32>} : memref<20x16xf32, #tpu.memory_space<vmem>>, vector<16xf32>,
      %get3A_46 = arith.constant 7 : i32
      %get3A_47 = arith.index_cast %get3A_46 : i32 to index
      %get3A_48 = arith.constant 0 : index
      %get3A_49 = tpu.vector_load %arg10[%get3A_47, %get3A_48] {strides = array<i32>} : memref<20x16xf32, #tpu.memory_space<vmem>>, vector<16xf32>,
      %get3A_50 = arith.constant 8 : i32
      %get3A_51 = arith.index_cast %get3A_50 : i32 to index
      %get3A_52 = arith.constant 0 : index
      %get3A_53 = tpu.vector_load %arg10[%get3A_51, %get3A_52] {strides = array<i32>} : memref<20x16xf32, #tpu.memory_space<vmem>>, vector<16xf32>,
      %get3A_54 = arith.constant 9 : i32
      %get3A_55 = arith.index_cast %get3A_54 : i32 to index
      %get3A_56 = arith.constant 0 : index
      %get3A_57 = tpu.vector_load %arg10[%get3A_55, %get3A_56] {strides = array<i32>} : memref<20x16xf32, #tpu.memory_space<vmem>>, vector<16xf32>,
      %get3A_58 = arith.constant 10 : i32
      %get3A_59 = arith.index_cast %get3A_58 : i32 to index
      %get3A_60 = arith.constant 0 : index
      %get3A_61 = tpu.vector_load %arg10[%get3A_59, %get3A_60] {strides = array<i32>} : memref<20x16xf32, #tpu.memory_space<vmem>>, vector<16xf32>,
      %get3A_62 = arith.constant 11 : i32
      %get3A_63 = arith.index_cast %get3A_62 : i32 to index
      %get3A_64 = arith.constant 0 : index
      %get3A_65 = tpu.vector_load %arg10[%get3A_63, %get3A_64] {strides = array<i32>} : memref<20x16xf32, #tpu.memory_space<vmem>>, vector<16xf32>,
      %get3A_66 = arith.constant 12 : i32
      %get3A_67 = arith.index_cast %get3A_66 : i32 to index
      %get3A_68 = arith.constant 0 : index
      %get3A_69 = tpu.vector_load %arg10[%get3A_67, %get3A_68] {strides = array<i32>} : memref<20x16xf32, #tpu.memory_space<vmem>>, vector<16xf32>,
      %get3A_70 = arith.constant 13 : i32
      %get3A_71 = arith.index_cast %get3A_70 : i32 to index
      %get3A_72 = arith.constant 0 : index
      %get3A_73 = tpu.vector_load %arg10[%get3A_71, %get3A_72] {strides = array<i32>} : memref<20x16xf32, #tpu.memory_space<vmem>>, vector<16xf32>,
      %get3A_74 = arith.constant 14 : i32
      %get3A_75 = arith.index_cast %get3A_74 : i32 to index
      %get3A_76 = arith.constant 0 : index
      %get3A_77 = tpu.vector_load %arg10[%get3A_75, %get3A_76] {strides = array<i32>} : memref<20x16xf32, #tpu.memory_space<vmem>>, vector<16xf32>,
      %get3A_78 = arith.constant 15 : i32
      %get3A_79 = arith.index_cast %get3A_78 : i32 to index
      %get3A_80 = arith.constant 0 : index
      %get3A_81 = tpu.vector_load %arg10[%get3A_79, %get3A_80] {strides = array<i32>} : memref<20x16xf32, #tpu.memory_space<vmem>>, vector<16xf32>,
      %get3A_82 = arith.constant 16 : i32
      %get3A_83 = arith.index_cast %get3A_82 : i32 to index
      %get3A_84 = arith.constant 0 : index
      %get3A_85 = tpu.vector_load %arg10[%get3A_83, %get3A_84] {strides = array<i32>} : memref<20x16xf32, #tpu.memory_space<vmem>>, vector<16xf32>,
      %get3A_86 = arith.constant 17 : i32
      %get3A_87 = arith.index_cast %get3A_86 : i32 to index
      %get3A_88 = arith.constant 0 : index
      %get3A_89 = tpu.vector_load %arg10[%get3A_87, %get3A_88] {strides = array<i32>} : memref<20x16xf32, #tpu.memory_space<vmem>>, vector<16xf32>,
      %get3A_90 = arith.constant 18 : i32
      %get3A_91 = arith.index_cast %get3A_90 : i32 to index
      %get3A_92 = arith.constant 0 : index
      %get3A_93 = tpu.vector_load %arg10[%get3A_91, %get3A_92] {strides = array<i32>} : memref<20x16xf32, #tpu.memory_space<vmem>>, vector<16xf32>,
      %get3A_94 = arith.constant 19 : i32
      %get3A_95 = arith.index_cast %get3A_94 : i32 to index
      %get3A_96 = arith.constant 0 : index
      %get3A_97 = tpu.vector_load %arg10[%get3A_95, %get3A_96] {strides = array<i32>} : memref<20x16xf32, #tpu.memory_space<vmem>>, vector<16xf32>,
      %scan3A_98 = arith.constant 0 : i32
      %scan3A_99 = arith.constant 64 : i32
      %scan3A_100 = arith.addi %scan3A_98, %scan3A_99 : i32
      %scan3A_101 = arith.constant 1 : i32
      %scan3A_102:20 = scf.for %scan3A_144 = %scan3A_98 to %scan3A_100 step %scan3A_101 iter_args(%scan3A_145 = %get3A_21, %scan3A_146 = %get3A_25, %scan3A_147 = %get3A_29, %scan3A_148 = %get3A_33, %scan3A_149 = %get3A_37, %scan3A_150 = %get3A_41, %scan3A_151 = %get3A_45, %scan3A_152 = %get3A_49, %scan3A_153 = %get3A_53, %scan3A_154 = %get3A_57, %scan3A_155 = %get3A_61, %scan3A_156 = %get3A_65, %scan3A_157 = %get3A_69, %scan3A_158 = %get3A_73, %scan3A_159 = %get3A_77, %scan3A_160 = %get3A_81, %scan3A_161 = %get3A_85, %scan3A_162 = %get3A_89, %scan3A_163 = %get3A_93, %scan3A_164 = %get3A_97) -> (vector<16xf32>, vector<16xf32>, vector<16xf32>, vector<16xf32>, vector<16xf32>, vector<16xf32>, vector<16xf32>, vector<16xf32>, vector<16xf32>, vector<16xf32>, vector<16xf32>, vector<16xf32>, vector<16xf32>, vector<16xf32>, vector<16xf32>, vector<16xf32>, vector<16xf32>, vector<16xf32>, vector<16xf32>, vector<16xf32>)  : i32 {
        %broadcast_in_dim3A_165 = vector.broadcast %scan3A_144 : i32 to vector<16xi32>
        %gather3A = tpu.vector_load_idx %arg8[%add3A_18, %broadcast_in_dim3A_165] : memref<512x64xf32, #tpu.memory_space<vmem>>[vector<16xi32>, vector<16xi32>], vector<16xf32>,
        %mul3A_166 = arith.constant 20 : i32
        %mul3A_167 = arith.muli %scan3A_144, %mul3A_166 : i32
        %add3A_168 = arith.constant 0 : i32
        %add3A_169 = arith.addi %mul3A_167, %add3A_168 : i32
        %get3A_170 = arith.index_cast %add3A_169 : i32 to index
        %get3A_171 = arith.constant 0 : index
        %get3A_172 = tpu.vector_load %arg9[%get3A_170, %get3A_171] {strides = array<i32>} : memref<1280x16xf32, #tpu.memory_space<vmem>>, vector<16xf32>,
        %mul3A_173 = arith.mulf %gather3A, %get3A_172 : vector<16xf32>
        %add3A_174 = arith.addf %scan3A_145, %mul3A_173 : vector<16xf32>
        %add3A_175 = arith.constant 1 : i32
        %add3A_176 = arith.addi %mul3A_167, %add3A_175 : i32
        %get3A_177 = arith.index_cast %add3A_176 : i32 to index
        %get3A_178 = arith.constant 0 : index
        %get3A_179 = tpu.vector_load %arg9[%get3A_177, %get3A_178] {strides = array<i32>} : memref<1280x16xf32, #tpu.memory_space<vmem>>, vector<16xf32>,
        %mul3A_180 = arith.mulf %gather3A, %get3A_179 : vector<16xf32>
        %add3A_181 = arith.addf %scan3A_146, %mul3A_180 : vector<16xf32>
        %add3A_182 = arith.constant 2 : i32
        %add3A_183 = arith.addi %mul3A_167, %add3A_182 : i32
        %get3A_184 = arith.index_cast %add3A_183 : i32 to index
        %get3A_185 = arith.constant 0 : index
        %get3A_186 = tpu.vector_load %arg9[%get3A_184, %get3A_185] {strides = array<i32>} : memref<1280x16xf32, #tpu.memory_space<vmem>>, vector<16xf32>,
        %mul3A_187 = arith.mulf %gather3A, %get3A_186 : vector<16xf32>
        %add3A_188 = arith.addf %scan3A_147, %mul3A_187 : vector<16xf32>
        %add3A_189 = arith.constant 3 : i32
        %add3A_190 = arith.addi %mul3A_167, %add3A_189 : i32
        %get3A_191 = arith.index_cast %add3A_190 : i32 to index
        %get3A_192 = arith.constant 0 : index
        %get3A_193 = tpu.vector_load %arg9[%get3A_191, %get3A_192] {strides = array<i32>} : memref<1280x16xf32, #tpu.memory_space<vmem>>, vector<16xf32>,
        %mul3A_194 = arith.mulf %gather3A, %get3A_193 : vector<16xf32>
        %add3A_195 = arith.addf %scan3A_148, %mul3A_194 : vector<16xf32>
        %add3A_196 = arith.constant 4 : i32
        %add3A_197 = arith.addi %mul3A_167, %add3A_196 : i32
        %get3A_198 = arith.index_cast %add3A_197 : i32 to index
        %get3A_199 = arith.constant 0 : index
        %get3A_200 = tpu.vector_load %arg9[%get3A_198, %get3A_199] {strides = array<i32>} : memref<1280x16xf32, #tpu.memory_space<vmem>>, vector<16xf32>,
        %mul3A_201 = arith.mulf %gather3A, %get3A_200 : vector<16xf32>
        %add3A_202 = arith.addf %scan3A_149, %mul3A_201 : vector<16xf32>
        %add3A_203 = arith.constant 5 : i32
        %add3A_204 = arith.addi %mul3A_167, %add3A_203 : i32
        %get3A_205 = arith.index_cast %add3A_204 : i32 to index
        %get3A_206 = arith.constant 0 : index
        %get3A_207 = tpu.vector_load %arg9[%get3A_205, %get3A_206] {strides = array<i32>} : memref<1280x16xf32, #tpu.memory_space<vmem>>, vector<16xf32>,
        %mul3A_208 = arith.mulf %gather3A, %get3A_207 : vector<16xf32>
        %add3A_209 = arith.addf %scan3A_150, %mul3A_208 : vector<16xf32>
        %add3A_210 = arith.constant 6 : i32
        %add3A_211 = arith.addi %mul3A_167, %add3A_210 : i32
        %get3A_212 = arith.index_cast %add3A_211 : i32 to index
        %get3A_213 = arith.constant 0 : index
        %get3A_214 = tpu.vector_load %arg9[%get3A_212, %get3A_213] {strides = array<i32>} : memref<1280x16xf32, #tpu.memory_space<vmem>>, vector<16xf32>,
        %mul3A_215 = arith.mulf %gather3A, %get3A_214 : vector<16xf32>
        %add3A_216 = arith.addf %scan3A_151, %mul3A_215 : vector<16xf32>
        %add3A_217 = arith.constant 7 : i32
        %add3A_218 = arith.addi %mul3A_167, %add3A_217 : i32
        %get3A_219 = arith.index_cast %add3A_218 : i32 to index
        %get3A_220 = arith.constant 0 : index
        %get3A_221 = tpu.vector_load %arg9[%get3A_219, %get3A_220] {strides = array<i32>} : memref<1280x16xf32, #tpu.memory_space<vmem>>, vector<16xf32>,
        %mul3A_222 = arith.mulf %gather3A, %get3A_221 : vector<16xf32>
        %add3A_223 = arith.addf %scan3A_152, %mul3A_222 : vector<16xf32>
        %add3A_224 = arith.constant 8 : i32
        %add3A_225 = arith.addi %mul3A_167, %add3A_224 : i32
        %get3A_226 = arith.index_cast %add3A_225 : i32 to index
        %get3A_227 = arith.constant 0 : index
        %get3A_228 = tpu.vector_load %arg9[%get3A_226, %get3A_227] {strides = array<i32>} : memref<1280x16xf32, #tpu.memory_space<vmem>>, vector<16xf32>,
        %mul3A_229 = arith.mulf %gather3A, %get3A_228 : vector<16xf32>
        %add3A_230 = arith.addf %scan3A_153, %mul3A_229 : vector<16xf32>
        %add3A_231 = arith.constant 9 : i32
        %add3A_232 = arith.addi %mul3A_167, %add3A_231 : i32
        %get3A_233 = arith.index_cast %add3A_232 : i32 to index
        %get3A_234 = arith.constant 0 : index
        %get3A_235 = tpu.vector_load %arg9[%get3A_233, %get3A_234] {strides = array<i32>} : memref<1280x16xf32, #tpu.memory_space<vmem>>, vector<16xf32>,
        %mul3A_236 = arith.mulf %gather3A, %get3A_235 : vector<16xf32>
        %add3A_237 = arith.addf %scan3A_154, %mul3A_236 : vector<16xf32>
        %add3A_238 = arith.constant 10 : i32
        %add3A_239 = arith.addi %mul3A_167, %add3A_238 : i32
        %get3A_240 = arith.index_cast %add3A_239 : i32 to index
        %get3A_241 = arith.constant 0 : index
        %get3A_242 = tpu.vector_load %arg9[%get3A_240, %get3A_241] {strides = array<i32>} : memref<1280x16xf32, #tpu.memory_space<vmem>>, vector<16xf32>,
        %mul3A_243 = arith.mulf %gather3A, %get3A_242 : vector<16xf32>
        %add3A_244 = arith.addf %scan3A_155, %mul3A_243 : vector<16xf32>
        %add3A_245 = arith.constant 11 : i32
        %add3A_246 = arith.addi %mul3A_167, %add3A_245 : i32
        %get3A_247 = arith.index_cast %add3A_246 : i32 to index
        %get3A_248 = arith.constant 0 : index
        %get3A_249 = tpu.vector_load %arg9[%get3A_247, %get3A_248] {strides = array<i32>} : memref<1280x16xf32, #tpu.memory_space<vmem>>, vector<16xf32>,
        %mul3A_250 = arith.mulf %gather3A, %get3A_249 : vector<16xf32>
        %add3A_251 = arith.addf %scan3A_156, %mul3A_250 : vector<16xf32>
        %add3A_252 = arith.constant 12 : i32
        %add3A_253 = arith.addi %mul3A_167, %add3A_252 : i32
        %get3A_254 = arith.index_cast %add3A_253 : i32 to index
        %get3A_255 = arith.constant 0 : index
        %get3A_256 = tpu.vector_load %arg9[%get3A_254, %get3A_255] {strides = array<i32>} : memref<1280x16xf32, #tpu.memory_space<vmem>>, vector<16xf32>,
        %mul3A_257 = arith.mulf %gather3A, %get3A_256 : vector<16xf32>
        %add3A_258 = arith.addf %scan3A_157, %mul3A_257 : vector<16xf32>
        %add3A_259 = arith.constant 13 : i32
        %add3A_260 = arith.addi %mul3A_167, %add3A_259 : i32
        %get3A_261 = arith.index_cast %add3A_260 : i32 to index
        %get3A_262 = arith.constant 0 : index
        %get3A_263 = tpu.vector_load %arg9[%get3A_261, %get3A_262] {strides = array<i32>} : memref<1280x16xf32, #tpu.memory_space<vmem>>, vector<16xf32>,
        %mul3A_264 = arith.mulf %gather3A, %get3A_263 : vector<16xf32>
        %add3A_265 = arith.addf %scan3A_158, %mul3A_264 : vector<16xf32>
        %add3A_266 = arith.constant 14 : i32
        %add3A_267 = arith.addi %mul3A_167, %add3A_266 : i32
        %get3A_268 = arith.index_cast %add3A_267 : i32 to index
        %get3A_269 = arith.constant 0 : index
        %get3A_270 = tpu.vector_load %arg9[%get3A_268, %get3A_269] {strides = array<i32>} : memref<1280x16xf32, #tpu.memory_space<vmem>>, vector<16xf32>,
        %mul3A_271 = arith.mulf %gather3A, %get3A_270 : vector<16xf32>
        %add3A_272 = arith.addf %scan3A_159, %mul3A_271 : vector<16xf32>
        %add3A_273 = arith.constant 15 : i32
        %add3A_274 = arith.addi %mul3A_167, %add3A_273 : i32
        %get3A_275 = arith.index_cast %add3A_274 : i32 to index
        %get3A_276 = arith.constant 0 : index
        %get3A_277 = tpu.vector_load %arg9[%get3A_275, %get3A_276] {strides = array<i32>} : memref<1280x16xf32, #tpu.memory_space<vmem>>, vector<16xf32>,
        %mul3A_278 = arith.mulf %gather3A, %get3A_277 : vector<16xf32>
        %add3A_279 = arith.addf %scan3A_160, %mul3A_278 : vector<16xf32>
        %add3A_280 = arith.constant 16 : i32
        %add3A_281 = arith.addi %mul3A_167, %add3A_280 : i32
        %get3A_282 = arith.index_cast %add3A_281 : i32 to index
        %get3A_283 = arith.constant 0 : index
        %get3A_284 = tpu.vector_load %arg9[%get3A_282, %get3A_283] {strides = array<i32>} : memref<1280x16xf32, #tpu.memory_space<vmem>>, vector<16xf32>,
        %mul3A_285 = arith.mulf %gather3A, %get3A_284 : vector<16xf32>
        %add3A_286 = arith.addf %scan3A_161, %mul3A_285 : vector<16xf32>
        %add3A_287 = arith.constant 17 : i32
        %add3A_288 = arith.addi %mul3A_167, %add3A_287 : i32
        %get3A_289 = arith.index_cast %add3A_288 : i32 to index
        %get3A_290 = arith.constant 0 : index
        %get3A_291 = tpu.vector_load %arg9[%get3A_289, %get3A_290] {strides = array<i32>} : memref<1280x16xf32, #tpu.memory_space<vmem>>, vector<16xf32>,
        %mul3A_292 = arith.mulf %gather3A, %get3A_291 : vector<16xf32>
        %add3A_293 = arith.addf %scan3A_162, %mul3A_292 : vector<16xf32>
        %add3A_294 = arith.constant 18 : i32
        %add3A_295 = arith.addi %mul3A_167, %add3A_294 : i32
        %get3A_296 = arith.index_cast %add3A_295 : i32 to index
        %get3A_297 = arith.constant 0 : index
        %get3A_298 = tpu.vector_load %arg9[%get3A_296, %get3A_297] {strides = array<i32>} : memref<1280x16xf32, #tpu.memory_space<vmem>>, vector<16xf32>,
        %mul3A_299 = arith.mulf %gather3A, %get3A_298 : vector<16xf32>
        %add3A_300 = arith.addf %scan3A_163, %mul3A_299 : vector<16xf32>
        %add3A_301 = arith.constant 19 : i32
        %add3A_302 = arith.addi %mul3A_167, %add3A_301 : i32
        %get3A_303 = arith.index_cast %add3A_302 : i32 to index
        %get3A_304 = arith.constant 0 : index
        %get3A_305 = tpu.vector_load %arg9[%get3A_303, %get3A_304] {strides = array<i32>} : memref<1280x16xf32, #tpu.memory_space<vmem>>, vector<16xf32>,
        %mul3A_306 = arith.mulf %gather3A, %get3A_305 : vector<16xf32>
        %add3A_307 = arith.addf %scan3A_164, %mul3A_306 : vector<16xf32>
        scf.yield %add3A_174, %add3A_181, %add3A_188, %add3A_195, %add3A_202, %add3A_209, %add3A_216, %add3A_223, %add3A_230, %add3A_237, %add3A_244, %add3A_251, %add3A_258, %add3A_265, %add3A_272, %add3A_279, %add3A_286, %add3A_293, %add3A_300, %add3A_307 : vector<16xf32>, vector<16xf32>, vector<16xf32>, vector<16xf32>, vector<16xf32>, vector<16xf32>, vector<16xf32>, vector<16xf32>, vector<16xf32>, vector<16xf32>, vector<16xf32>, vector<16xf32>, vector<16xf32>, vector<16xf32>, vector<16xf32>, vector<16xf32>, vector<16xf32>, vector<16xf32>, vector<16xf32>, vector<16xf32>
      }
      %scan3A_103 = arith.constant 64 : i32
      %broadcast_in_dim3A = arith.constant 0 : i32
      %broadcast_in_dim3A_104 = vector.broadcast %broadcast_in_dim3A : i32 to vector<16xi32>
      tpu.vector_store_idx %arg11[%add3A_18, %broadcast_in_dim3A_104], %scan3A_102#0 : memref<512x20xf32, #tpu.memory_space<vmem>>[vector<16xi32>, vector<16xi32>], vector<16xf32>,
      %broadcast_in_dim3A_105 = arith.constant 1 : i32
      %broadcast_in_dim3A_106 = vector.broadcast %broadcast_in_dim3A_105 : i32 to vector<16xi32>
      tpu.vector_store_idx %arg11[%add3A_18, %broadcast_in_dim3A_106], %scan3A_102#1 : memref<512x20xf32, #tpu.memory_space<vmem>>[vector<16xi32>, vector<16xi32>], vector<16xf32>,
      %broadcast_in_dim3A_107 = arith.constant 2 : i32
      %broadcast_in_dim3A_108 = vector.broadcast %broadcast_in_dim3A_107 : i32 to vector<16xi32>
      tpu.vector_store_idx %arg11[%add3A_18, %broadcast_in_dim3A_108], %scan3A_102#2 : memref<512x20xf32, #tpu.memory_space<vmem>>[vector<16xi32>, vector<16xi32>], vector<16xf32>,
      %broadcast_in_dim3A_109 = arith.constant 3 : i32
      %broadcast_in_dim3A_110 = vector.broadcast %broadcast_in_dim3A_109 : i32 to vector<16xi32>
      tpu.vector_store_idx %arg11[%add3A_18, %broadcast_in_dim3A_110], %scan3A_102#3 : memref<512x20xf32, #tpu.memory_space<vmem>>[vector<16xi32>, vector<16xi32>], vector<16xf32>,
      %broadcast_in_dim3A_111 = arith.constant 4 : i32
      %broadcast_in_dim3A_112 = vector.broadcast %broadcast_in_dim3A_111 : i32 to vector<16xi32>
      tpu.vector_store_idx %arg11[%add3A_18, %broadcast_in_dim3A_112], %scan3A_102#4 : memref<512x20xf32, #tpu.memory_space<vmem>>[vector<16xi32>, vector<16xi32>], vector<16xf32>,
      %broadcast_in_dim3A_113 = arith.constant 5 : i32
      %broadcast_in_dim3A_114 = vector.broadcast %broadcast_in_dim3A_113 : i32 to vector<16xi32>
      tpu.vector_store_idx %arg11[%add3A_18, %broadcast_in_dim3A_114], %scan3A_102#5 : memref<512x20xf32, #tpu.memory_space<vmem>>[vector<16xi32>, vector<16xi32>], vector<16xf32>,
      %broadcast_in_dim3A_115 = arith.constant 6 : i32
      %broadcast_in_dim3A_116 = vector.broadcast %broadcast_in_dim3A_115 : i32 to vector<16xi32>
      tpu.vector_store_idx %arg11[%add3A_18, %broadcast_in_dim3A_116], %scan3A_102#6 : memref<512x20xf32, #tpu.memory_space<vmem>>[vector<16xi32>, vector<16xi32>], vector<16xf32>,
      %broadcast_in_dim3A_117 = arith.constant 7 : i32
      %broadcast_in_dim3A_118 = vector.broadcast %broadcast_in_dim3A_117 : i32 to vector<16xi32>
      tpu.vector_store_idx %arg11[%add3A_18, %broadcast_in_dim3A_118], %scan3A_102#7 : memref<512x20xf32, #tpu.memory_space<vmem>>[vector<16xi32>, vector<16xi32>], vector<16xf32>,
      %broadcast_in_dim3A_119 = arith.constant 8 : i32
      %broadcast_in_dim3A_120 = vector.broadcast %broadcast_in_dim3A_119 : i32 to vector<16xi32>
      tpu.vector_store_idx %arg11[%add3A_18, %broadcast_in_dim3A_120], %scan3A_102#8 : memref<512x20xf32, #tpu.memory_space<vmem>>[vector<16xi32>, vector<16xi32>], vector<16xf32>,
      %broadcast_in_dim3A_121 = arith.constant 9 : i32
      %broadcast_in_dim3A_122 = vector.broadcast %broadcast_in_dim3A_121 : i32 to vector<16xi32>
      tpu.vector_store_idx %arg11[%add3A_18, %broadcast_in_dim3A_122], %scan3A_102#9 : memref<512x20xf32, #tpu.memory_space<vmem>>[vector<16xi32>, vector<16xi32>], vector<16xf32>,
      %broadcast_in_dim3A_123 = arith.constant 10 : i32
      %broadcast_in_dim3A_124 = vector.broadcast %broadcast_in_dim3A_123 : i32 to vector<16xi32>
      tpu.vector_store_idx %arg11[%add3A_18, %broadcast_in_dim3A_124], %scan3A_102#10 : memref<512x20xf32, #tpu.memory_space<vmem>>[vector<16xi32>, vector<16xi32>], vector<16xf32>,
      %broadcast_in_dim3A_125 = arith.constant 11 : i32
      %broadcast_in_dim3A_126 = vector.broadcast %broadcast_in_dim3A_125 : i32 to vector<16xi32>
      tpu.vector_store_idx %arg11[%add3A_18, %broadcast_in_dim3A_126], %scan3A_102#11 : memref<512x20xf32, #tpu.memory_space<vmem>>[vector<16xi32>, vector<16xi32>], vector<16xf32>,
      %broadcast_in_dim3A_127 = arith.constant 12 : i32
      %broadcast_in_dim3A_128 = vector.broadcast %broadcast_in_dim3A_127 : i32 to vector<16xi32>
      tpu.vector_store_idx %arg11[%add3A_18, %broadcast_in_dim3A_128], %scan3A_102#12 : memref<512x20xf32, #tpu.memory_space<vmem>>[vector<16xi32>, vector<16xi32>], vector<16xf32>,
      %broadcast_in_dim3A_129 = arith.constant 13 : i32
      %broadcast_in_dim3A_130 = vector.broadcast %broadcast_in_dim3A_129 : i32 to vector<16xi32>
      tpu.vector_store_idx %arg11[%add3A_18, %broadcast_in_dim3A_130], %scan3A_102#13 : memref<512x20xf32, #tpu.memory_space<vmem>>[vector<16xi32>, vector<16xi32>], vector<16xf32>,
      %broadcast_in_dim3A_131 = arith.constant 14 : i32
      %broadcast_in_dim3A_132 = vector.broadcast %broadcast_in_dim3A_131 : i32 to vector<16xi32>
      tpu.vector_store_idx %arg11[%add3A_18, %broadcast_in_dim3A_132], %scan3A_102#14 : memref<512x20xf32, #tpu.memory_space<vmem>>[vector<16xi32>, vector<16xi32>], vector<16xf32>,
      %broadcast_in_dim3A_133 = arith.constant 15 : i32
      %broadcast_in_dim3A_134 = vector.broadcast %broadcast_in_dim3A_133 : i32 to vector<16xi32>
      tpu.vector_store_idx %arg11[%add3A_18, %broadcast_in_dim3A_134], %scan3A_102#15 : memref<512x20xf32, #tpu.memory_space<vmem>>[vector<16xi32>, vector<16xi32>], vector<16xf32>,
      %broadcast_in_dim3A_135 = arith.constant 16 : i32
      %broadcast_in_dim3A_136 = vector.broadcast %broadcast_in_dim3A_135 : i32 to vector<16xi32>
      tpu.vector_store_idx %arg11[%add3A_18, %broadcast_in_dim3A_136], %scan3A_102#16 : memref<512x20xf32, #tpu.memory_space<vmem>>[vector<16xi32>, vector<16xi32>], vector<16xf32>,
      %broadcast_in_dim3A_137 = arith.constant 17 : i32
      %broadcast_in_dim3A_138 = vector.broadcast %broadcast_in_dim3A_137 : i32 to vector<16xi32>
      tpu.vector_store_idx %arg11[%add3A_18, %broadcast_in_dim3A_138], %scan3A_102#17 : memref<512x20xf32, #tpu.memory_space<vmem>>[vector<16xi32>, vector<16xi32>], vector<16xf32>,
      %broadcast_in_dim3A_139 = arith.constant 18 : i32
      %broadcast_in_dim3A_140 = vector.broadcast %broadcast_in_dim3A_139 : i32 to vector<16xi32>
      tpu.vector_store_idx %arg11[%add3A_18, %broadcast_in_dim3A_140], %scan3A_102#18 : memref<512x20xf32, #tpu.memory_space<vmem>>[vector<16xi32>, vector<16xi32>], vector<16xf32>,
      %broadcast_in_dim3A_141 = arith.constant 19 : i32
      %broadcast_in_dim3A_142 = vector.broadcast %broadcast_in_dim3A_141 : i32 to vector<16xi32>
      tpu.vector_store_idx %arg11[%add3A_18, %broadcast_in_dim3A_142], %scan3A_102#19 : memref<512x20xf32, #tpu.memory_space<vmem>>[vector<16xi32>, vector<16xi32>], vector<16xf32>,
      %scan3A_143 = arith.constant 0 : i32
      scf.yield %scan3A_143 : i32
    }
    %scan3A_12 = arith.constant 32 : i32
    "tpu.region"() ({
      %run_scoped3A = tpu.sem_alloc : memref<!tpu.dma_semaphore, #tpu.memory_space<semaphore_mem>>
      %dma_start3A_13 = arith.constant 0 : i32
      %dma_start3A_14 = tpu.memref_slice %arg6[%mul3A_2, %dma_start3A_13] : memref<16384x20xf32, #tpu.memory_space<hbm>> -> memref<512x20xf32, #tpu.memory_space<hbm>>
      %dma_start3A_15 = arith.constant 0 : i32
      %dma_start3A_16 = tpu.memref_slice %arg6[%mul3A_2, %dma_start3A_15] : memref<16384x20xf32, #tpu.memory_space<hbm>> -> memref<512x20xf32, #tpu.memory_space<hbm>>
      tpu.enqueue_dma source(%arg11 : memref<512x20xf32, #tpu.memory_space<vmem>>) target(%dma_start3A_16 : memref<512x20xf32, #tpu.memory_space<hbm>>) target_semaphore(%run_scoped3A : memref<!tpu.dma_semaphore, #tpu.memory_space<semaphore_mem>>)
      %dma_wait3A_17 = arith.constant 0 : i32
      %dma_wait3A_18 = tpu.memref_slice %arg6[%mul3A_2, %dma_wait3A_17] : memref<16384x20xf32, #tpu.memory_space<hbm>> -> memref<512x20xf32, #tpu.memory_space<hbm>>
      %dma_wait3A_19 = arith.constant 0 : i32
      %dma_wait3A_20 = tpu.memref_slice %arg6[%mul3A_2, %dma_wait3A_19] : memref<16384x20xf32, #tpu.memory_space<hbm>> -> memref<512x20xf32, #tpu.memory_space<hbm>>
      tpu.wait_dma2 semaphore(%run_scoped3A : memref<!tpu.dma_semaphore, #tpu.memory_space<semaphore_mem>>) src(%arg11 : memref<512x20xf32, #tpu.memory_space<vmem>>) dst(%dma_wait3A_20 : memref<512x20xf32, #tpu.memory_space<hbm>>)
      tpu.yield
    }) : () -> ()
    return
  }
}

</mosaic_0001>

<sc_bundles>
// kernel: kernel.3.cloned.1.call-start
scs
__scs_entry_jumppad:
0x0: {  	(pc) =	sbr.rel $0x88, $3  }
0x1: {  	(tag) =	ssettag $0x0;
	lr =	simm.s32 $0x1  }
0x2: {  	[smem:$0x3F9D] =	sst lr;
	_ =	strace $0xD0000000  }
0x3: {  	_ = 	snop  }
0x4: {  	_ = 	snop  }
0x5: {  	_ = 	snop  }
0x6: {  	_ = 	snop  }
0x7: {  	_ = 	snop  }
__scs_overlays_trampoline_lowered:
0x8: {  	[smem:$0x3FAC] =	sst s0  }
0x9: {  	[smem:$0x3FAD] =	sst s1  }
0xa: {  	[smem:$0x3FAE] =	sst s2  }
0xb: {  	[smem:$0x3FAF] =	sst s3  }
0xc: {  	[smem:$0x3FB0] =	sst s4  }
0xd: {  	[smem:$0x3FB1] =	sst s5  }
0xe: {  	[smem:$0x3FB2] =	sst s6  }
0xf: {  	[smem:$0x3FB3] =	sst s7  }
0x10: {  	[smem:$0x3FB4] =	sst s8  }
0x11: {  	[smem:$0x3FB5] =	sst s9;
	s0 =	simm.s32 @!p0 $0x0  }
0x12: {  	s1 =	sld [smem:$0x3F9B];
	s0 =	simm.s32 @p0 $0x1  }
0x13: {  	[smem:$0x3FB6] =	sst s0;
	s0 =	simm.s32 @!p1 $0x0  }
0x14: {  	s2 =	sld [smem:$0x3F9A];
	s0 =	simm.s32 @p1 $0x1  }
0x15: {  	[smem:$0x3FB7] =	sst s0;
	s0 =	simm.s32 @!p2 $0x0  }
0x16: {  	s3 =	sld [smem:$0x3FDB];
	s0 =	simm.s32 @p2 $0x1  }
0x17: {  	s4 =	simm.s32 $0x1BF5;
	[smem:$0x3FB9] =	sst s0  }
0x18: {  	s0 =	sld [smem:$0x3F9C];
	_ =	swait.ge [sflag:s4], $0x0  }
0x19: {  	s7 =	sld [smem:$0x3F9D]  }
0x1a: {  	s8 =	sadd.s32 $0xFFFFE003, lr  }
0x1b: {  	s9 =	sadd.s32 $0xFFFFFEF7, lr;
	s5 =	simm.s32 $0xFFFFFFFF;
	p2 =	slt.u32 s8, $0xFFFFF086  }
0x1c: {  	p1 =	slt.u32 s9, $0xF7A;
	s5 =	simm.s32 @!p2 $0x0  }
0x1d: {  	s5 =	simm.s32 @p1 $0x1;
	p0 =	seq.s32 s7, s2  }
0x1e: {  	s7 =	smul.u32 @!p0 $0xF7A, s2;
	p2 =	seq.s32 @!p0 s5, $0x0  }
0x1f: {  	s9 =	smul.u32 $0xF7A, s1;
	s8 =	simm.s32 @!p0 $0x1BF5;
	p2 =	por !p2, p0  }
0x20: {  	[sflag:s8] =	ssyncset.s32 @!p0 $0xFFFFF086;
	s6 =	sadd.s32 @!p0 s3, s7;
	s7 =	simm.s32 @!p0 $0x108  }
0x21: {  	s3 =	sadd.s32 s3, s9;
	s6 =	sadd.s32 @!p0 $0x88, s6;
	s7 =	simm.s32 @p2 $0x1082  }
0x22: {  	[simem:s7], [sflag:s8] =	dma.local @!p0 [hbm:s6], $0xF7A  }
0x23: {  	s9 =	sor.u32 $0xD0000000, s2;
	s6 =	simm.s32 $0x108;
	_ =	swait.ge @!p0 [sflag:s8], $0x0  }
0x24: {  	s3 =	sadd.s32 $0x88, s3;
	s6 =	simm.s32 @!p1 $0x1082;
	[sflag:s4] =	ssyncset.s32 $0xFFFFF086  }
0x25: {  	[simem:s6], [sflag:s4] =	dma.local [hbm:s3], $0xF7A  }
0x26: {  	[smem:$0x3F9D] =	sst s1;
	(tag) =	ssettag s2;
	_ =	strace s9  }
0x27: {  	s1 =	sld [smem:$0x3FAD]  }
0x28: {  	s2 =	sld [smem:$0x3FAE]  }
0x29: {  	s4 =	sld [smem:$0x3FB0]  }
0x2a: {  	p0 =	seq.s32 s5, $0x0;
	s5 =	sld [smem:$0x3FB1]  }
0x2b: {  	s6 =	sld [smem:$0x3FB2]  }
0x2c: {  	s7 =	sld [smem:$0x3FB3]  }
0x2d: {  	s3 =	simm.s32 $0x108;
	s8 =	sld [smem:$0x3FB4]  }
0x2e: {  	s3 =	simm.s32 @!p0 $0x1082;
	s9 =	sld [smem:$0x3FB5]  }
0x2f: {  	lr =	sadd.s32 s0, s3;
	s0 =	sld [smem:$0x3FAC]  }
0x30: {  	s3 =	sld [smem:$0x3FAF]  }
0x31: {  	[smem:$0x3FB8] =	sst s10  }
0x32: {  	s10 =	sld [smem:$0x3FB6];
	_ =	sdelay $0x3  }
0x33: {  	p0 =	seq.s32 s10, $0x1;
	s10 =	sld [smem:$0x3FB8];
	_ =	sdelay $0x3  }
0x34: {  	[smem:$0x3FB8] =	sst s10  }
0x35: {  	s10 =	sld [smem:$0x3FB7];
	_ =	sdelay $0x3  }
0x36: {  	p1 =	seq.s32 s10, $0x1;
	s10 =	sld [smem:$0x3FB8];
	_ =	sdelay $0x3  }
0x37: {  	[smem:$0x3FB8] =	sst s10  }
0x38: {  	s10 =	sld [smem:$0x3FB9]  }
0x39: {  	_ = 	snop;
	(pc) =	sbr.ind lr, $3  }
0x3a: {  	_ = 	snop  }
0x3b: {  	_ = 	snop  }
0x3c: {  	p2 =	seq.s32 s10, $0x1;
	s10 =	sld [smem:$0x3FB8]  }
0x3d: {  	_ =	shalt  }
0x3e: {  	_ =	shalt  }
0x3f: {  	_ =	shalt  }
0x40: {  	_ =	shalt  }
0x41: {  	_ =	shalt  }
0x42: {  	_ =	shalt  }
0x43: {  	_ =	shalt  }
0x44: {  	_ =	shalt  }
0x45: {  	_ =	shalt  }
0x46: {  	_ =	shalt  }
0x47: {  	_ =	shalt  }
0x48: {  	_ =	shalt  }
0x49: {  	_ =	shalt  }
0x4a: {  	_ =	shalt  }
0x4b: {  	_ =	shalt  }
0x4c: {  	_ =	shalt  }
0x4d: {  	_ =	shalt  }
0x4e: {  	_ =	shalt  }
0x4f: {  	_ =	shalt  }
0x50: {  	_ =	shalt  }
0x51: {  	_ =	shalt  }
0x52: {  	_ =	shalt  }
0x53: {  	_ =	shalt  }
0x54: {  	_ =	shalt  }
0x55: {  	_ =	shalt  }
0x56: {  	_ =	shalt  }
0x57: {  	_ =	shalt  }
0x58: {  	_ =	shalt  }
0x59: {  	_ =	shalt  }
0x5a: {  	_ =	shalt  }
0x5b: {  	_ =	shalt  }
0x5c: {  	_ =	shalt  }
0x5d: {  	_ =	shalt  }
0x5e: {  	_ =	shalt  }
0x5f: {  	_ =	shalt  }
0x60: {  	_ =	shalt  }
0x61: {  	_ =	shalt  }
0x62: {  	_ =	shalt  }
0x63: {  	_ =	shalt  }
0x64: {  	_ =	shalt  }
0x65: {  	_ =	shalt  }
0x66: {  	_ =	shalt  }
0x67: {  	_ =	shalt  }
0x68: {  	_ =	shalt  }
0x69: {  	_ =	shalt  }
0x6a: {  	_ =	shalt  }
0x6b: {  	_ =	shalt  }
0x6c: {  	_ =	shalt  }
0x6d: {  	_ =	shalt  }
0x6e: {  	_ =	shalt  }
0x6f: {  	_ =	shalt  }
0x70: {  	_ =	shalt  }
0x71: {  	_ =	shalt  }
0x72: {  	_ =	shalt  }
0x73: {  	_ =	shalt  }
0x74: {  	_ =	shalt  }
0x75: {  	_ =	shalt  }
0x76: {  	_ =	shalt  }
0x77: {  	_ =	shalt  }
0x78: {  	_ =	shalt  }
0x79: {  	_ =	shalt  }
0x7a: {  	_ =	shalt  }
0x7b: {  	_ =	shalt  }
0x7c: {  	_ =	shalt  }
0x7d: {  	_ =	shalt  }
0x7e: {  	_ =	shalt  }
0x7f: {  	_ =	shalt  }
0x80: {  	_ =	shalt  }
0x81: {  	_ =	shalt  }
0x82: {  	_ =	shalt  }
0x83: {  	_ =	shalt  }
0x84: {  	_ =	shalt  }
0x85: {  	_ =	shalt  }
0x86: {  	_ =	shalt  }
0x87: {  	_ =	shalt  }
.Lfunc_end0:
.L_simem_size_0:
called_computation_lowered:
.L_overlay_start_0:
0x88: {  	s2 =	sld [smem:$0x3FD9]  }
0x89: {  	s3 =	sld [smem:$0x3FFE];
	_ =	sdelay $0x1  }
0x8a: {  	s1 =	srdreg.scid  }
0x8b: {  	s0 =	sand.u32 $0x1, s1  }
0x8c: {  	s17 =	sshll.u32 s0, $0xA;
	s2 =	sadd.s32 s3, s2  }
0x8d: {  	s2 =	sadd.s32 s2, s17  }
0x8e: {  	[smem:$0x3FC4] =	sst s2  }
0x8f: {  	_ = 	snop  }
0x90: {  	s2 =	sld [smem:$0x3FC9]  }
0x91: {  	s18 =	sld [smem:$0x3FD0];
	(tm) =	ssettm $0x1  }
0x92: {  	s4 =	sld [smem:$0x3FFB];
	_ =	sdelay $0x3  }
0x93: {  	_ =	strace s4  }
0x94: {  	s4 =	sld [smem:$0x3FFC];
	_ =	sdelay $0x3  }
0x95: {  	_ =	strace s4  }
0x96: {  	s4 =	sld [smem:$0x3FFD];
	_ =	sdelay $0x3  }
0x97: {  	_ =	strace s4  }
0x98: {  	_ =	strace $0x8FFFFFFF  }
0x99: {  	s19 =	sld [smem:$0x3FDB];
	_ =	sdelay $0x1  }
0x9a: {  	s5 =	simm.s32 $_scs_section_size  }
0x9b: {  	s6 =	simm.s32 $_size__tile_overlayer_lowered;
	s7 =	simm.s32 $_tile_overlayer_lowered  }
0x9c: {  	s22 =	simm.s32 $0x1BFF;
	s21 =	sshll.u32 s7, $0x1;
	s4 =	sadd.s32 s5, s19  }
0x9d: {  	s8 =	simm.s32 $0x0;
	s20 =	sshll.u32 s6, $0x1;
	s6 =	sadd.s32 s21, s4  }
0x9e: {  	[timem:s8], [sflag:s22] =	dma.local [hbm:s6], s20  }
0x9f: {  	_ =	swait.ge [sflag:s22], s20  }
0xa0: {  	s5 =	ssub.s32 $0x0, s20;
	[sflag:s22] =	ssyncset.done $0x0  }
0xa1: {  	[sflag:s22] =	ssyncadd.s32 s5;
	_ =	sdelay $0x1  }
0xa2: {  	s23 =	simm.s32 $0x1B8B  }
0xa3: {  	_ =	swait.ge [sflag:s23], $0x1  }
0xa4: {  	[sflag:s23] =	ssyncset.done $0x0  }
0xa5: {  	s25 =	simm.s32 $0x1B8E;
	s24 =	sld [smem:$0x3FFE];
	[sflag:s23] =	ssyncadd.s32 $0xFFFFFFFF  }
0xa6: {  	s26 =	simm.s32 $execute0_lowered;
	[smem:$0x3FD2] =	sst s25  }
0xa7: {  	s6 =	sshll.u32 s26, $0x1;
	_ =	strace $0x80000046;
	[dreg:$0x1] =	wrdreg $0xFFFFFFFF  }
0xa8: {  	s28 =	simm.s32 $_size_execute0_lowered;
	s4 =	sadd.s32 s4, s6;
	[dreg:$0x0] =	wrdreg $0x0  }
0xa9: {  	s6 =	sshll.u32 s28, $0x1;
	[dreg:$0x2] =	wrdreg s4  }
0xaa: {  	[dreg:$0x3] =	wrdreg s6  }
0xab: {  	[dreg:$0x4] =	wrdreg $0xC0  }
0xac: {  	_ =	task [dreg:s8], $0x5FFFF  }
0xad: {  	[dreg:$0x1] =	wrdreg $0xFFFFFFFF  }
0xae: {  	[dreg:$0x0] =	wrdreg $0x60  }
0xaf: {  	[dreg:$0x2] =	wrdreg s2  }
0xb0: {  	[dreg:$0x3] =	wrdreg s24  }
0xb1: {  	[dreg:$0x4] =	wrdreg s18  }
0xb2: {  	[dreg:$0x5] =	wrdreg $0x9  }
0xb3: {  	_ =	task.clear_ibuf [dreg:s8], $0x6FFFF;
	_ =	strace $0x90000046  }
0xb4: {  	s29 =	simm.s32 $0x9;
	_ =	strace $0x80000048  }
0xb5: {  	_ =	swait.ge [sflag:s29], $0x1  }
0xb6: {  	[sflag:s29] =	ssyncadd.s32 $0xFFFFFFFF  }
0xb7: {  	_ =	strace $0x90000048  }
0xb8: {  	_ =	sfence  }
0xb9: {  	s30 =	sld [smem:$0x0];
	_ =	sdelay $0x2  }
0xba: {  	s31 =	sshll.u32 s1, $0xD;
	s1 =	sshrl.u32 s1, $0x2  }
0xbb: {  	s3 =	sand.u32 $0x4000, s31;
	s1 =	sadd.s32 s1, s30  }
0xbc: {  	s0 =	sor.u32 s3, s0;
	s1 =	sshll.u32 s1, $0x11  }
0xbd: {  	s0 =	sor.u32 s1, s0  }
0xbe: {  	s0 =	sadd.s32 $0x8F2B, s0  }
0xbf: {  	[sflag:s0] =	ssyncadd.remote.s32 $0x1  }
0xc0: {  	_ =	sfence.sel $0xFFFF  }
0xc1: {  	[dreg:$0x0] =	wrdreg $0xFFFFFFFF;
	(pc) =	sbr.abs _section_cstart, $3  }
0xc2: {  	[dreg:$0x1] =	wrdreg $0xFFFFFFFF  }
0xc3: {  	_ =	task.clear_ibuf [dreg:s8], $0x2FFFF;
	_ =	strace $0x9FFFFFFF  }
0xc4: {  	(tm) =	ssettm $0x7FFFFFFF  }
0xc5: {  	_ =	shalt  }
tec
execute0_lowered:
.L_overlay_start_1:
0x0: {  	(tag) =	ssettag $0x1  }
0x1: {  	s6 =	rddreg [dreg:$0x0]  }
0x2: {  	s5 =	rddreg [dreg:$0x1]  }
0x3: {  	s7 =	rddreg [dreg:$0x2]  }
0x4: {  	s0 =	rddreg [dreg:$0x3]  }
0x5: {  	s2 =	simm.s32 $0x0;
	s3 =	srdreg.scid;
	s1 =	stileid.u32  }
0x6: {  	s12 =	simm.s32 $0x200;
	s13 =	simm.s32 $0x1;
	s14 =	simm.s32 $0xD340  }
0x7: {  	s15 =	simm.s32 $0x0;
	[smem:$0x7FF] =	sst s2;
	s8 =	sand.u32 $0x1, s3  }
0x8: {  	s3 =	sadd.s32 $0xF42C00, s5;
	s9 =	sshll.u32 s1, $0xA;
	s4 =	sadd.s32 $0x800, s5  }
0x9: {  	s5 =	sadd.s32 $0x1200, s5;
	s10 =	sshll.u32 s8, $0x9;
	s8 =	ssub.s32 $0x2, s8  }
0xa: {  	_ =	strace $0x80000047;
	s9 =	sor.u32 s10, s9;
	s31 =	sshrl.u32 s8, $0x1  }
0xb: {  	s11 =	sshrl.u32 s9, $0x3;
	s9 =	smul.u32 $0x3, s9;
	s8 =	ssub.s32 s8, s31  }
0xc: {  	s10 =	simm.s32 $0x8200;
	s6 =	sadd.s32 s6, s11;
	s8 =	smax.u32 s8, $0x1  }
0xd: {  	v0 =	vlaneseq.u32;
	s11 =	simm.s32 $0xD200;
	s7 =	sadd.s32 s7, s9;
	s9 =	simm.s32 $0x2  }
.LBB2_1:
0xe: {  	[tilespmem:s2], [sflag:$0x2] =	stream.linear.gather [hbm4b:s6+s2], $0x200, $0x38;
	[tilespmem:$0x10340] =	vst v63  }
0xf: {  	_ =	swait.ge [sflag:s9], $0x200  }
0x10: {  	[sflag:s9] =	ssyncset.done $0x0  }
0x11: {  	[sflag:s9] =	ssyncadd.s32 $0xFFFFFE00  }
0x12: {  	[tilespmem:s10], [sflag:$0x2] =	stream.linear.gather [hbm4b:s4+s2], $0x5000, $0x38;
	[tilespmem:$0x10340] =	vst v63  }
0x13: {  	_ =	swait.ge [sflag:s9], $0x5000  }
0x14: {  	[sflag:s9] =	ssyncset.done $0x0  }
0x15: {  	[sflag:s9] =	ssyncadd.s32 $0xFFFFB000  }
0x16: {  	[tilespmem:s11], [sflag:$0x2] =	stream.linear.gather [hbm4b:s5+s2], $0x140, $0x38;
	[tilespmem:$0x10340] =	vst v63  }
0x17: {  	_ =	swait.ge [sflag:s9], $0x140  }
0x18: {  	[sflag:s9] =	ssyncset.done $0x0  }
0x19: {  	[sflag:s9] =	ssyncadd.s32 $0xFFFFFEC0  }
0x1a: {  	[tilespmem:s12], [sflag:$0x1] =	stream.indirect.gather [hbm4b:s3+s12], $0x40, s2, s12, $0xb8;
	[tilespmem:$0x10340] =	vst v63  }
0x1b: {  	_ =	swait.ge [sflag:s13], $0x8000  }
0x1c: {  	[sflag:s13] =	ssyncset.done $0x0  }
0x1d: {  	s16 =	simm.s32 $0x0;
	[sflag:s13] =	ssyncadd.s32 $0xFFFF8000  }
.LBB2_2:
0x1e: {  	v14 =	vld [tilespmem:$0xD200]  }
0x1f: {  	v15 =	vld [tilespmem:$0xD210]  }
0x20: {  	v27 =	vld [tilespmem:$0xD220]  }
0x21: {  	v28 =	vld [tilespmem:$0xD230]  }
0x22: {  	v22 =	vld [tilespmem:$0xD240]  }
0x23: {  	v19 =	vld [tilespmem:$0xD250]  }
0x24: {  	v20 =	vld [tilespmem:$0xD260]  }
0x25: {  	v16 =	vld [tilespmem:$0xD270]  }
0x26: {  	v13 =	vld [tilespmem:$0xD280]  }
0x27: {  	v9 =	vld [tilespmem:$0xD290]  }
0x28: {  	v10 =	vld [tilespmem:$0xD2A0]  }
0x29: {  	v7 =	vld [tilespmem:$0xD2B0]  }
0x2a: {  	s17 =	simm.s32 $0x0;
	v11 =	vld [tilespmem:$0xD2C0]  }
0x2b: {  	v12 =	vld [tilespmem:$0xD2D0];
	v1 =	vmov s17  }
0x2c: {  	s31 =	sshll.u32 s16, $0x4;
	v8 =	vld [tilespmem:$0xD2E0];
	v1 =	vand.u32 $0x3F, v1  }
0x2d: {  	v5 =	vld [tilespmem:$0xD2F0];
	v2 =	vor.u32 s31, v0;
	v1 =	vbroadcast v1, $0x0  }
0x2e: {  	v6 =	vld [tilespmem:$0xD300];
	v23 =	vshll.u32 v2, $0x6  }
0x2f: {  	v4 =	vld [tilespmem:$0xD310];
	v1 =	vor.u32 v23, v1  }
0x30: {  	v17 =	vld [tilespmem:$0xD330];
	s17 =	simm.s32 $0x82A0  }
0x31: {  	v18 =	vld [tilespmem:s17+$0xFFFFFF60]  }
0x32: {  	v25 =	vld [tilespmem:s17+$0xFFFFFF70]  }
0x33: {  	v26 =	vld [tilespmem:s17+$0xFFFFFF80]  }
0x34: {  	v21 =	vld.idx.msk [tilespmem:v1+s12+$0x0], $0xffff  }
0x35: {  	v1 =	vld [tilespmem:s17+$0x90]  }
0x36: {  	v29 =	vld [tilespmem:s17+$0xFFFFFF90]  }
0x37: {  	v30 =	vld [tilespmem:s17+$0xFFFFFFA0]  }
0x38: {  	v32 =	vld [tilespmem:s17+$0xFFFFFFB0]  }
0x39: {  	v3 =	vld [tilespmem:$0xD320]  }
0x3a: {  	v24 =	vld [tilespmem:s17+$0xFFFFFFC0];
	v1 =	vmul.f32 v1, v21;
	v18 =	vmul.f32 v18, v21  }
0x3b: {  	v31 =	vmul.f32 v25, v21;
	v33 =	vmul.f32 v26, v21;
	v25 =	vld [tilespmem:s17+$0xFFFFFFD0]  }
0x3c: {  	v34 =	vmul.f32 v29, v21;
	v26 =	vld [tilespmem:s17+$0xFFFFFFE0];
	v29 =	vmul.f32 v30, v21;
	v1 =	vadd.f32 v1, v17  }
0x3d: {  	s18 =	simm.s32 $0x1;
	v30 =	vmul.f32 v32, v21;
	v17 =	vadd.f32 v18, v14;
	v14 =	vadd.f32 v33, v27;
	v27 =	vld [tilespmem:s17+$0xFFFFFFF0]  }
0x3e: {  	v18 =	vadd.f32 v31, v15;
	v31 =	vmov s18;
	s18 =	simm.s32 $0x2;
	v15 =	vadd.f32 v34, v28;
	v28 =	vld [tilespmem:s17+$0x0]  }
.LBB2_3:
0x3f: {  	p0 =	sne.s32 s18, $0x3F;
	v31 =	vand.u32 $0x3F, v31;
	v22 =	vadd.f32 v29, v22;
	v24 =	vmul.f32 v24, v21;
	v29 =	vld [tilespmem:s17+$0x10]  }
0x40: {  	v31 =	vbroadcast v31, $0x0;
	v19 =	vadd.f32 v30, v19;
	v25 =	vmul.f32 v25, v21;
	v30 =	vld [tilespmem:s17+$0x20]  }
0x41: {  	v20 =	vadd.f32 v24, v20;
	v24 =	vmul.f32 v26, v21;
	v26 =	vld [tilespmem:s17+$0x30]  }
0x42: {  	v31 =	vor.u32 v23, v31;
	v16 =	vadd.f32 v25, v16;
	v25 =	vmul.f32 v27, v21;
	v27 =	vld [tilespmem:s17+$0x40]  }
0x43: {  	v13 =	vadd.f32 v24, v13;
	v24 =	vmul.f32 v28, v21;
	v28 =	vld [tilespmem:s17+$0x50]  }
0x44: {  	v9 =	vadd.f32 v25, v9;
	v25 =	vmul.f32 v29, v21;
	v29 =	vld [tilespmem:s17+$0x60]  }
0x45: {  	v10 =	vadd.f32 v24, v10;
	v24 =	vmul.f32 v30, v21;
	v30 =	vld [tilespmem:s17+$0x70]  }
0x46: {  	v7 =	vadd.f32 v25, v7;
	v25 =	vmul.f32 v26, v21;
	v26 =	vld [tilespmem:s17+$0x80]  }
0x47: {  	s17 =	sadd.s32 $0x140, s17;
	v31 =	vld.idx.msk [tilespmem:v31+s12+$0x0], $0xffff;
	v11 =	vadd.f32 v24, v11;
	v24 =	vmul.f32 v27, v21  }
0x48: {  	v27 =	vld [tilespmem:s17+$0x90];
	v12 =	vadd.f32 v25, v12;
	v25 =	vmul.f32 v28, v21  }
0x49: {  	v28 =	vld [tilespmem:s17+$0xFFFFFF60];
	v8 =	vadd.f32 v24, v8;
	v24 =	vmul.f32 v29, v21  }
0x4a: {  	v29 =	vld [tilespmem:s17+$0xFFFFFF70];
	v5 =	vadd.f32 v25, v5;
	v25 =	vmul.f32 v30, v21  }
0x4b: {  	v30 =	vld [tilespmem:s17+$0xFFFFFF80];
	v6 =	vadd.f32 v24, v6;
	v24 =	vmul.f32 v26, v21  }
0x4c: {  	v26 =	vld [tilespmem:s17+$0xFFFFFF90];
	v4 =	vadd.f32 v25, v4  }
0x4d: {  	v21 =	vmov v31;
	v32 =	vld [tilespmem:s17+$0xFFFFFFA0];
	v25 =	vmul.f32 v27, v31;
	v3 =	vadd.f32 v24, v3  }
0x4e: {  	v27 =	vmul.f32 v28, v21;
	v28 =	vld [tilespmem:s17+$0xFFFFFFB0]  }
.Ltmp0:
0x4f: {  	v29 =	vmul.f32 v29, v21;
	v24 =	vld [tilespmem:s17+$0xFFFFFFC0];
	v1 =	vadd.f32 v25, v1;
	(pc) =	sbr.rel @p0 .LBB2_3-.Ltmp0, $4  }
0x50: {  	v17 =	vadd.f32 v27, v17;
	v27 =	vmul.f32 v30, v21;
	v25 =	vld [tilespmem:s17+$0xFFFFFFD0]  }
0x51: {  	v18 =	vadd.f32 v29, v18;
	v30 =	vmul.f32 v26, v21;
	v26 =	vld [tilespmem:s17+$0xFFFFFFE0]  }
0x52: {  	v14 =	vadd.f32 v27, v14;
	v29 =	vmul.f32 v32, v21;
	v27 =	vld [tilespmem:s17+$0xFFFFFFF0]  }
0x53: {  	v31 =	vmov s18;
	s18 =	sadd.s32 $0x1, s18;
	v15 =	vadd.f32 v30, v15;
	v30 =	vmul.f32 v28, v21;
	v28 =	vld [tilespmem:s17+$0x0]  }
0x54: {  	v32 =	vld [tilespmem:s17+$0x10]  }
0x55: {  	v33 =	vld [tilespmem:s17+$0x20]  }
0x56: {  	v34 =	vld [tilespmem:s17+$0x30]  }
0x57: {  	v55 =	vld [tilespmem:s17+$0x40]  }
0x58: {  	v35 =	vld [tilespmem:s17+$0x50]  }
0x59: {  	v36 =	vld [tilespmem:s17+$0x60]  }
0x5a: {  	v37 =	vld [tilespmem:s17+$0x70]  }
0x5b: {  	v38 =	vld [tilespmem:s17+$0x80];
	s31 =	sadd.s32 $0x140, s17  }
0x5c: {  	v39 =	vld [tilespmem:s31+$0x90]  }
0x5d: {  	v40 =	vld [tilespmem:s31+$0xFFFFFF60]  }
0x5e: {  	v41 =	vld [tilespmem:s31+$0xFFFFFF70]  }
0x5f: {  	v31 =	vand.u32 $0x3F, v31;
	v42 =	vld [tilespmem:s31+$0xFFFFFF80]  }
0x60: {  	v31 =	vbroadcast v31, $0x0;
	v43 =	vld [tilespmem:s31+$0xFFFFFF90]  }
0x61: {  	v44 =	vld [tilespmem:s31+$0xFFFFFFA0]  }
0x62: {  	v24 =	vmul.f32 v24, v21;
	v45 =	vld [tilespmem:s31+$0xFFFFFFB0];
	v23 =	vor.u32 v23, v31  }
0x63: {  	v22 =	vadd.f32 v29, v22;
	v2 =	vmul.u32 $0x18, v2;
	v29 =	vld [tilespmem:s31+$0xFFFFFFC0]  }
0x64: {  	v25 =	vmul.f32 v25, v21;
	v19 =	vadd.f32 v30, v19;
	v30 =	vld [tilespmem:s31+$0x10];
	v20 =	vadd.f32 v24, v20  }
0x65: {  	v56 =	vmul.f32 v26, v21;
	v26 =	vld [tilespmem:s31+$0xFFFFFFD0];
	v49 =	vor.u32 $0x1, v2;
	v51 =	vor.u32 $0x2, v2  }
0x66: {  	v53 =	vor.u32 $0x3, v2;
	v57 =	vmul.f32 v27, v21;
	v27 =	vld [tilespmem:s31+$0x0];
	v58 =	vmul.f32 v28, v21  }
0x67: {  	v16 =	vadd.f32 v25, v16;
	v59 =	vmul.f32 v32, v21;
	v60 =	vmul.f32 v33, v21;
	v23 =	vld.idx.msk [tilespmem:v23+s12+$0x0], $0xffff  }
0x68: {  	v25 =	vld [tilespmem:s31+$0x40];
	v13 =	vadd.f32 v56, v13;
	v61 =	vmul.f32 v34, v21;
	v62 =	vmul.f32 v55, v21  }
0x69: {  	v31 =	vld [tilespmem:s31+$0x50];
	v9 =	vadd.f32 v57, v9;
	v63 =	vmul.f32 v35, v21;
	v36 =	vmul.f32 v36, v21  }
0x6a: {  	v28 =	vld [tilespmem:s31+$0xFFFFFFE0];
	v46 =	vmul.f32 v37, v21;
	v47 =	vmul.f32 v38, v21;
	v10 =	vadd.f32 v58, v10  }
0x6b: {  	v32 =	vld [tilespmem:s31+$0xFFFFFFF0];
	v55 =	vor.u32 $0x4, v2;
	v7 =	vadd.f32 v59, v7;
	v11 =	vadd.f32 v60, v11  }
0x6c: {  	v33 =	vld [tilespmem:s31+$0x20];
	v12 =	vadd.f32 v61, v12;
	v8 =	vadd.f32 v62, v8;
	v48 =	vmul.f32 v40, v23  }
0x6d: {  	v34 =	vld [tilespmem:s31+$0x30];
	v5 =	vadd.f32 v63, v5;
	v6 =	vadd.f32 v36, v6;
	v50 =	vmul.f32 v41, v23  }
0x6e: {  	v38 =	vld [tilespmem:s31+$0x70];
	v4 =	vadd.f32 v46, v4;
	v52 =	vmul.f32 v42, v23;
	v17 =	vadd.f32 v48, v17  }
0x6f: {  	v3 =	vadd.f32 v47, v3;
	v36 =	vld [tilespmem:s31+$0x60];
	v54 =	vmul.f32 v43, v23;
	v18 =	vadd.f32 v50, v18  }
0x70: {  	v57 =	vor.u32 $0x5, v2;
	v41 =	vld [tilespmem:s31+$0x80];
	v56 =	vmul.f32 v44, v23;
	v14 =	vadd.f32 v52, v14;
	[tilespmem:v2+s14+$0x0] =	vst.idx.msk $0xffff, v17  }
0x71: {  	v59 =	vor.u32 $0x6, v2;
	v58 =	vmul.f32 v45, v23;
	v15 =	vadd.f32 v54, v15;
	[tilespmem:v49+s14+$0x0] =	vst.idx.msk $0xffff, v18  }
0x72: {  	v62 =	vor.u32 $0x7, v2;
	v61 =	vmul.f32 v29, v23;
	v60 =	vadd.f32 v56, v22;
	[tilespmem:v51+s14+$0x0] =	vst.idx.msk $0xffff, v14  }
0x73: {  	v35 =	vadd.s32 $0x8, v2;
	v29 =	vmul.f32 v26, v23;
	v63 =	vadd.f32 v58, v19;
	[tilespmem:v53+s14+$0x0] =	vst.idx.msk $0xffff, v15  }
0x74: {  	v40 =	vmul.f32 v28, v23;
	v42 =	vadd.s32 $0x9, v2;
	v37 =	vadd.f32 v61, v20;
	[tilespmem:v55+s14+$0x0] =	vst.idx.msk $0xffff, v60  }
0x75: {  	v44 =	vmul.f32 v32, v23;
	v45 =	vadd.s32 $0xA, v2;
	v43 =	vadd.f32 v29, v16;
	[tilespmem:v57+s14+$0x0] =	vst.idx.msk $0xffff, v63  }
0x76: {  	v47 =	vadd.s32 $0xB, v2;
	v46 =	vmul.f32 v27, v23;
	v13 =	vadd.f32 v40, v13;
	[tilespmem:v59+s14+$0x0] =	vst.idx.msk $0xffff, v37  }
0x77: {  	v9 =	vadd.f32 v44, v9;
	v48 =	vmul.f32 v30, v23;
	v49 =	vadd.s32 $0xC, v2;
	[tilespmem:v62+s14+$0x0] =	vst.idx.msk $0xffff, v43  }
0x78: {  	v10 =	vadd.f32 v46, v10;
	v50 =	vmul.f32 v33, v23;
	v51 =	vadd.s32 $0xD, v2;
	[tilespmem:v35+s14+$0x0] =	vst.idx.msk $0xffff, v13  }
0x79: {  	v52 =	vmul.f32 v34, v23;
	v7 =	vadd.f32 v48, v7;
	v53 =	vadd.s32 $0xE, v2;
	[tilespmem:v42+s14+$0x0] =	vst.idx.msk $0xffff, v9  }
0x7a: {  	v54 =	vmul.f32 v25, v23;
	v11 =	vadd.f32 v50, v11;
	v55 =	vadd.s32 $0xF, v2;
	[tilespmem:v45+s14+$0x0] =	vst.idx.msk $0xffff, v10  }
0x7b: {  	v56 =	vmul.f32 v31, v23;
	v12 =	vadd.f32 v52, v12;
	v57 =	vadd.s32 $0x10, v2;
	[tilespmem:v47+s14+$0x0] =	vst.idx.msk $0xffff, v7  }
0x7c: {  	v58 =	vmul.f32 v36, v23;
	v8 =	vadd.f32 v54, v8;
	v59 =	vadd.s32 $0x11, v2;
	[tilespmem:v49+s14+$0x0] =	vst.idx.msk $0xffff, v11  }
0x7d: {  	s16 =	sadd.s32 $0x1, s16;
	v61 =	vadd.s32 $0x12, v2;
	v5 =	vadd.f32 v56, v5;
	v60 =	vmul.f32 v38, v23;
	[tilespmem:v51+s14+$0x0] =	vst.idx.msk $0xffff, v12  }
0x7e: {  	p0 =	sne.s32 s16, $0x20;
	v6 =	vadd.f32 v58, v6;
	v2 =	vadd.s32 $0x13, v2;
	v62 =	vmul.f32 v41, v23;
	[tilespmem:v53+s14+$0x0] =	vst.idx.msk $0xffff, v8  }
.Ltmp1:
0x7f: {  	v63 =	vmul.f32 v39, v23;
	v4 =	vadd.f32 v60, v4;
	[tilespmem:v55+s14+$0x0] =	vst.idx.msk $0xffff, v5;
	(pc) =	sbr.rel @p0 .LBB2_2-.Ltmp1, $4  }
0x80: {  	v3 =	vadd.f32 v62, v3;
	[tilespmem:v57+s14+$0x0] =	vst.idx.msk $0xffff, v6  }
0x81: {  	v1 =	vadd.f32 v63, v1;
	[tilespmem:v59+s14+$0x0] =	vst.idx.msk $0xffff, v4  }
0x82: {  	[tilespmem:v61+s14+$0x0] =	vst.idx.msk $0xffff, v3  }
0x83: {  	[tilespmem:v2+s14+$0x0] =	vst.idx.msk $0xffff, v1  }
0x84: {  	s15 =	sadd.s32 $0x1, s15  }
0x85: {  	p0 =	sne.s32 s15, s8  }
.Ltmp2:
0x86: {  	_ = 	snop;
	(pc) =	sbr.rel @p0 .LBB2_1-.Ltmp2, $4  }
0x87: {  	[hbm4b:s7+s2] =	stream.linear.scatter [tilespmem:s14], [sflag:$0x2], $0x3000, $0x38;
	[tilespmem:$0x10340] =	vst v63  }
0x88: {  	_ =	swait.ge [sflag:s9], $0x3000  }
0x89: {  	[sflag:s9] =	ssyncset.done $0x0  }
0x8a: {  	[sflag:s9] =	ssyncadd.s32 $0xFFFFD000  }
0x8b: {  	_ =	sfence.sel $0x180000  }
0x8c: {  	[bflag:$0x0] =	sbarrier.arrive $0xFFFF  }
0x8d: {  	p0 =	sne.s32 s1, $0x0;
	_ =	strace $0x90000047  }
0x8e: {  	s0 =	sadd.s32 @!p0 $0x100000, s0;
	[bflag:$0x2] =	sbarrier.arrive $0xFFFF  }
0x8f: {  	[sflag:s0] =	ssyncadd.tile.s32 @!p0 $0x1;
	_ =	shalt  }
.Lfunc_end2:
_tile_overlayer_lowered:
.L_overlay_start_2:
0x90: {  	(tag) =	ssettag $0x2  }
0x91: {  	s0 =	rddreg [dreg:$0x0];
	s2 =	stileid.u32  }
0x92: {  	s1 =	rddreg [dreg:$0x1];
	p0 =	sne.s32 s2, $0x0  }
0x93: {  	s3 =	rddreg [dreg:$0x2];
	[bflag:$0x3] =	sbarrier.arrive $0xFFFF;
	s2 =	simm.s32 @!p0 $0x1C02  }
0x94: {  	[timem:s3], [sflag:s2] =	dma.local @!p0 [hbm:s0], s1  }
0x95: {  	s0 =	simm.s32 @!p0 $0x2  }
0x96: {  	_ =	swait.ge @!p0 [sflag:s0], s1  }
0x97: {  	s1 =	ssub.s32 @!p0 $0x0, s1;
	[sflag:s0] =	ssyncset.done @!p0 $0x0  }
0x98: {  	[sflag:s0] =	ssyncadd.s32 @!p0 s1  }
0x99: {  	[bflag:$0x3] =	sbarrier.arrive $0xFFFF  }
0x9a: {  	_ =	shalt  }

</sc_bundles>
